<compile_context>
chip_gen: v7x
topology: tpu7x:2x2x1
jax: 0.10.2.dev20260603
libtpu: 0.0.44.dev20260713+nightly
codegen_flags: <defaults>
</compile_context>

<pallas_src>
import functools
import math

import jax
import jax.numpy as jnp
from jax import lax
from jax.experimental import pallas as pl
from jax.experimental.pallas import tpu as pltpu
from jax.experimental.pallas import tpu_sc as plsc

_VOCAB = 1000
_D = 128
_B, _N = 64, 32
_K = 100
_BN = _B * _N
_LOGK = math.log(_K)

_NC, _NS = 2, 16
_NW = _NC * _NS
_TPW = _BN // _NW


def _sc_gather_body(tgt_hbm, emb_hbm, rows_out, idx_v, rows_v, sem, wsem):
    wid = lax.axis_index("s") * _NC + lax.axis_index("c")
    base = wid * _TPW
    nrow = _TPW // _N
    pltpu.sync_copy(tgt_hbm.at[pl.ds(wid * nrow, nrow), :], idx_v)
    for r in range(nrow):
        pltpu.async_copy(emb_hbm.at[idx_v.at[r]],
                         rows_v.at[pl.ds(r * _N, _N)], sem)
    for r in range(nrow):
        pltpu.make_async_copy(emb_hbm.at[idx_v.at[r]],
                              rows_v.at[pl.ds(r * _N, _N)], sem).wait()
        pltpu.async_copy(rows_v.at[pl.ds(r * _N, _N)],
                         rows_out.at[pl.ds(base + r * _N, _N)], wsem)
    for r in range(nrow):
        pltpu.make_async_copy(rows_v.at[pl.ds(r * _N, _N)],
                              rows_out.at[pl.ds(base + r * _N, _N)],
                              wsem).wait()


@functools.cache
def _make_sc_gather():
  return pl.kernel(
    _sc_gather_body,
    out_type=jax.ShapeDtypeStruct((_BN, _D), jnp.float32),
    mesh=plsc.VectorSubcoreMesh(core_axis_name="c", subcore_axis_name="s",
                                num_cores=_NC, num_subcores=_NS),
    scratch_types=[
        pltpu.VMEM((_TPW // _N, _N), jnp.int32),
        pltpu.VMEM((_TPW, _D), jnp.float32),
        pltpu.SemaphoreType.DMA,
        pltpu.SemaphoreType.DMA,
    ],
  )


def _tc_a_body(x_ref, nz_ref, bias_ref, emb_ref, tgt_ref, sn_ref, bt_ref):
    x2 = x_ref[...].reshape(_BN, _D)
    bias = bias_ref[...]
    nz = nz_ref[...].reshape(1, _K)
    vid_n = lax.broadcasted_iota(jnp.int32, (_VOCAB, _K), 0)
    onehot_n = jnp.where(vid_n == nz, 1.0, 0.0)
    ne = lax.dot_general(onehot_n, emb_ref[...],
                         (((0,), (0,)), ((), ())),
                         preferred_element_type=jnp.float32)
    bn = lax.dot_general(bias.reshape(1, _VOCAB), onehot_n,
                         (((1,), (0,)), ((), ())),
                         preferred_element_type=jnp.float32)
    s = lax.dot_general(x2, ne, (((1,), (1,)), ((), ())),
                        preferred_element_type=jnp.float32)
    xn = s + bn - _LOGK
    sp_n = jnp.maximum(xn, 0.0) + jnp.log1p(jnp.exp(-jnp.abs(xn)))
    sn_ref[0] = jnp.sum(sp_n)
    tgt = tgt_ref[...]
    vid_t = lax.broadcasted_iota(jnp.int32, (_B, _N, _VOCAB), 2)
    bt_ref[...] = jnp.sum(jnp.where(vid_t == tgt[:, :, None], bias, 0.0),
                          axis=2)


def _tc_b_body(x_ref, rows_ref, bt_ref, sn_ref, out_ref):
    x3 = x_ref[...]
    te3 = rows_ref[...].reshape(_B, _N, _D)
    t = jnp.sum(x3 * te3, axis=2) + bt_ref[...] - _LOGK
    sp_t = jnp.maximum(-t, 0.0) + jnp.log1p(jnp.exp(-jnp.abs(t)))
    out_ref[0] = (jnp.sum(sp_t) + sn_ref[0]) * (1.0 / _BN)


def kernel(target, input, emb, bias, noise_samples):
    rows = _make_sc_gather()(target, emb)
    sn, bt = pl.pallas_call(
        _tc_a_body,
        out_shape=(jax.ShapeDtypeStruct((1,), jnp.float32),
                   jax.ShapeDtypeStruct((_B, _N), jnp.float32)),
        out_specs=(pl.BlockSpec(memory_space=pltpu.SMEM),
                   pl.BlockSpec(memory_space=pltpu.VMEM)),
    )(input, noise_samples, bias.astype(jnp.float32), emb, target)
    out = pl.pallas_call(
        _tc_b_body,
        out_shape=jax.ShapeDtypeStruct((1,), jnp.float32),
        in_specs=[pl.BlockSpec(memory_space=pltpu.VMEM),
                  pl.BlockSpec(memory_space=pltpu.VMEM),
                  pl.BlockSpec(memory_space=pltpu.VMEM),
                  pl.BlockSpec(memory_space=pltpu.SMEM)],
        out_specs=pl.BlockSpec(memory_space=pltpu.SMEM),
    )(input, rows, bt, sn)
    return out.reshape(())

# --- scband reference (transcript-rebuilt; emitter-appended) ---
"""Pipeline reference for scband-nceloss-3882650435832 (READ-ONLY COPY).

The authoritative reference and input builder live on the scoring server;
editing this copy changes nothing except your own understanding.
"""

import jax, jax.numpy as jnp
import numpy as np
import math

VOCAB = 1000
D = 128
B, N = 64, 32
NOISE_RATIO = 100
NORM_TERM = math.log(VOCAB)
BACKOFF_PROB = 1e-10


def setup_inputs(seed: int = 0):
    key = jax.random.key(seed)
    k1, k2, k3, k4 = jax.random.split(key, 4)
    target = jax.random.randint(k1, (B, N), 0, VOCAB)
    inputs = jax.random.normal(k2, (B, N, D), dtype=jnp.float32)
    emb = jax.random.normal(k3, (VOCAB, D), dtype=jnp.float32) * 0.02
    bias = jnp.zeros((VOCAB,), dtype=jnp.float32)
    # per_word=False: a single shared set of k noise samples, expanded over (B, N).
    # The noise distribution is uniform, so alias-method sampling == uniform randint.
    noise_samples = jax.random.randint(k4, (1, 1, NOISE_RATIO), 0, VOCAB)
    return {"target": target, "input": inputs, "emb": emb, "bias": bias, "noise_samples": noise_samples}


def _logprob_noise():
    probs = jnp.full((VOCAB,), 1.0 / VOCAB, dtype=jnp.float32)
    probs = probs / probs.sum()
    probs = jnp.clip(probs, BACKOFF_PROB, None)
    probs = probs / probs.sum()
    return jnp.log(probs)


def reference(target, input, emb, bias, noise_samples):
    logprob_noise = _logprob_noise()
    noise = jnp.broadcast_to(noise_samples, (B, N, NOISE_RATIO))
    # logit of noise / target words under the noise distribution
    logit_noise_in_noise = jnp.take(logprob_noise, noise.reshape(-1), axis=0).reshape(noise.shape)
    logit_target_in_noise = jnp.take(logprob_noise, target.reshape(-1), axis=0).reshape(target.shape)
    # IndexLinear-style model scores: gather embedding rows, dot with hidden state
    target_emb = jnp.take(emb, target, axis=0)                 # (B, N, D)
    logit_target_in_model = jnp.sum(input * target_emb, axis=-1) + jnp.take(bias, target, axis=0) - NORM_TERM
    noise_emb = jnp.take(emb, noise, axis=0)                   # (B, N, K, D)
    logit_noise_in_model = jnp.einsum('bnd,bnkd->bnk', input, noise_emb) + jnp.take(bias, noise, axis=0) - NORM_TERM
    # NCE loss (training mode)
    logit_model = jnp.concatenate([logit_target_in_model[..., None], logit_noise_in_model], axis=2)
    logit_noise_full = jnp.concatenate([logit_target_in_noise[..., None], logit_noise_in_noise], axis=2)
    logit_true = logit_model - logit_noise_full - math.log(NOISE_RATIO)
    label = jnp.zeros_like(logit_model).at[:, :, 0].set(1.0)
    # BCEWithLogits (reduction='none'), summed over the (1+k) axis
    bce = jnp.maximum(logit_true, 0.0) - logit_true * label + jnp.log1p(jnp.exp(-jnp.abs(logit_true)))
    loss = bce.sum(axis=2)
    # reduction='elementwise_mean'
    return loss.mean()

if __name__ == "__main__":
    import jax
    _d = setup_inputs()
    print(jax.jit(kernel)(*tuple(_d.values())))

</pallas_src>

<mosaic_0001>
#map = affine_map<(d0, d1) -> (0, 0)>
module attributes {stable_mosaic.version = 14 : i64} {
  func.func @_sc_gather_body(%arg0: i32, %arg1: i32, %arg2: memref<64x32xi32, #tpu.memory_space<hbm>>, %arg3: memref<1000x128xf32, #tpu.memory_space<hbm>>, %arg4: memref<2048x128xf32, #tpu.memory_space<hbm>>, %arg5: memref<2x32xi32, #tpu.memory_space<vmem>>, %arg6: memref<64x128xf32, #tpu.memory_space<vmem>>, %arg7: memref<!tpu.dma_semaphore, #tpu.memory_space<semaphore_mem>>, %arg8: memref<!tpu.dma_semaphore, #tpu.memory_space<semaphore_mem>>) attributes {dimension_semantics = [#tpu.dimension_semantics<core_parallel>, #tpu.dimension_semantics<subcore_parallel>], iteration_bounds = array<i64: 2, 16>, scalar_prefetch = 0 : i64, scratch_operands = 4 : i64, tpu.core_type = #tpu.core_type<sc_vector_subcore>, window_params = [{transform_indices = #map}, {transform_indices = #map}, {transform_indices = #map}]} {
    %mul3A = arith.constant 2 : i32
    %mul3A_0 = arith.muli %arg1, %mul3A : i32
    %add3A = arith.addi %mul3A_0, %arg0 : i32
    %mul3A_1 = arith.constant 64 : i32
    %mul3A_2 = arith.muli %add3A, %mul3A_1 : i32
    %mul3A_3 = arith.constant 2 : i32
    %mul3A_4 = arith.muli %add3A, %mul3A_3 : i32
    "tpu.region"() ({
      %run_scoped3A = tpu.sem_alloc : memref<!tpu.dma_semaphore, #tpu.memory_space<semaphore_mem>>
      %dma_start3A_91 = arith.constant 0 : i32
      %dma_start3A_92 = tpu.memref_slice %arg2[%mul3A_4, %dma_start3A_91] : memref<64x32xi32, #tpu.memory_space<hbm>> -> memref<2x32xi32, #tpu.memory_space<hbm>>
      %dma_start3A_93 = arith.constant 0 : i32
      %dma_start3A_94 = tpu.memref_slice %arg2[%mul3A_4, %dma_start3A_93] : memref<64x32xi32, #tpu.memory_space<hbm>> -> memref<2x32xi32, #tpu.memory_space<hbm>>
      tpu.enqueue_dma source(%dma_start3A_94 : memref<2x32xi32, #tpu.memory_space<hbm>>) target(%arg5 : memref<2x32xi32, #tpu.memory_space<vmem>>) target_semaphore(%run_scoped3A : memref<!tpu.dma_semaphore, #tpu.memory_space<semaphore_mem>>)
      %dma_wait3A_95 = arith.constant 0 : i32
      %dma_wait3A_96 = tpu.memref_slice %arg2[%mul3A_4, %dma_wait3A_95] : memref<64x32xi32, #tpu.memory_space<hbm>> -> memref<2x32xi32, #tpu.memory_space<hbm>>
      %dma_wait3A_97 = arith.constant 0 : i32
      %dma_wait3A_98 = tpu.memref_slice %arg2[%mul3A_4, %dma_wait3A_97] : memref<64x32xi32, #tpu.memory_space<hbm>> -> memref<2x32xi32, #tpu.memory_space<hbm>>
      tpu.wait_dma2 semaphore(%run_scoped3A : memref<!tpu.dma_semaphore, #tpu.memory_space<semaphore_mem>>) src(%dma_wait3A_98 : memref<2x32xi32, #tpu.memory_space<hbm>>) dst(%arg5 : memref<2x32xi32, #tpu.memory_space<vmem>>)
      tpu.yield
    }) : () -> ()
    %dma_start3A = arith.constant 0 : i32
    %dma_start3A_5 = arith.constant 0 : i32
    %dma_start3A_6 = arith.constant 0 : i32
    %dma_start3A_7 = tpu.memref_slice %arg6[%dma_start3A_5, %dma_start3A_6] : memref<64x128xf32, #tpu.memory_space<vmem>> -> memref<32x128xf32, #tpu.memory_space<vmem>>
    %dma_start3A_8 = arith.constant 0 : i32
    %dma_start3A_9 = tpu.memref_slice %arg5[%dma_start3A, %dma_start3A_8] : memref<2x32xi32, #tpu.memory_space<vmem>> -> memref<1x32xi32, #tpu.memory_space<vmem>>
    %dma_start3A_10 = tpu.memref_squeeze %dma_start3A_9 : memref<1x32xi32, #tpu.memory_space<vmem>> -> memref<32xi32, #tpu.memory_space<vmem>>
    %dma_start3A_11 = arith.constant 0 : i32
    %dma_start3A_12 = arith.constant 0 : i32
    %dma_start3A_13 = tpu.memref_slice %arg3[%dma_start3A_11, %dma_start3A_12] : memref<1000x128xf32, #tpu.memory_space<hbm>> -> memref<1000x128xf32, #tpu.memory_space<hbm>>
    tpu.enqueue_indirect_dma source(%dma_start3A_13 : memref<1000x128xf32, #tpu.memory_space<hbm>>) target(%dma_start3A_7 : memref<32x128xf32, #tpu.memory_space<vmem>>) offsets(%dma_start3A_10 : memref<32xi32, #tpu.memory_space<vmem>>) semaphore(%arg7 : memref<!tpu.dma_semaphore, #tpu.memory_space<semaphore_mem>>)
    %dma_start3A_14 = arith.constant 1 : i32
    %dma_start3A_15 = arith.constant 32 : i32
    %dma_start3A_16 = arith.constant 0 : i32
    %dma_start3A_17 = tpu.memref_slice %arg6[%dma_start3A_15, %dma_start3A_16] : memref<64x128xf32, #tpu.memory_space<vmem>> -> memref<32x128xf32, #tpu.memory_space<vmem>>
    %dma_start3A_18 = arith.constant 0 : i32
    %dma_start3A_19 = tpu.memref_slice %arg5[%dma_start3A_14, %dma_start3A_18] : memref<2x32xi32, #tpu.memory_space<vmem>> -> memref<1x32xi32, #tpu.memory_space<vmem>>
    %dma_start3A_20 = tpu.memref_squeeze %dma_start3A_19 : memref<1x32xi32, #tpu.memory_space<vmem>> -> memref<32xi32, #tpu.memory_space<vmem>>
    %dma_start3A_21 = arith.constant 0 : i32
    %dma_start3A_22 = arith.constant 0 : i32
    %dma_start3A_23 = tpu.memref_slice %arg3[%dma_start3A_21, %dma_start3A_22] : memref<1000x128xf32, #tpu.memory_space<hbm>> -> memref<1000x128xf32, #tpu.memory_space<hbm>>
    tpu.enqueue_indirect_dma source(%dma_start3A_23 : memref<1000x128xf32, #tpu.memory_space<hbm>>) target(%dma_start3A_17 : memref<32x128xf32, #tpu.memory_space<vmem>>) offsets(%dma_start3A_20 : memref<32xi32, #tpu.memory_space<vmem>>) semaphore(%arg7 : memref<!tpu.dma_semaphore, #tpu.memory_space<semaphore_mem>>)
    %dma_wait3A = arith.constant 0 : i32
    %dma_wait3A_24 = arith.constant 0 : i32
    %dma_wait3A_25 = arith.constant 0 : i32
    %dma_wait3A_26 = tpu.memref_slice %arg6[%dma_wait3A_24, %dma_wait3A_25] : memref<64x128xf32, #tpu.memory_space<vmem>> -> memref<32x128xf32, #tpu.memory_space<vmem>>
    %dma_wait3A_27 = arith.constant 0 : i32
    %dma_wait3A_28 = tpu.memref_slice %arg5[%dma_wait3A, %dma_wait3A_27] : memref<2x32xi32, #tpu.memory_space<vmem>> -> memref<1x32xi32, #tpu.memory_space<vmem>>
    %dma_wait3A_29 = tpu.memref_squeeze %dma_wait3A_28 : memref<1x32xi32, #tpu.memory_space<vmem>> -> memref<32xi32, #tpu.memory_space<vmem>>
    %dma_wait3A_30 = arith.constant 0 : i32
    %dma_wait3A_31 = arith.constant 0 : i32
    %dma_wait3A_32 = tpu.memref_slice %arg3[%dma_wait3A_30, %dma_wait3A_31] : memref<1000x128xf32, #tpu.memory_space<hbm>> -> memref<1000x128xf32, #tpu.memory_space<hbm>>
    tpu.wait_indirect_dma semaphore(%arg7 : memref<!tpu.dma_semaphore, #tpu.memory_space<semaphore_mem>>) src(%dma_wait3A_32 : memref<1000x128xf32, #tpu.memory_space<hbm>>) dst(%dma_wait3A_26 : memref<32x128xf32, #tpu.memory_space<vmem>>)
    %add3A_33 = arith.constant 0 : i32
    %add3A_34 = arith.addi %mul3A_2, %add3A_33 : i32
    %dma_start3A_35 = arith.constant 0 : i32
    %dma_start3A_36 = arith.constant 0 : i32
    %dma_start3A_37 = tpu.memref_slice %arg6[%dma_start3A_35, %dma_start3A_36] : memref<64x128xf32, #tpu.memory_space<vmem>> -> memref<32x128xf32, #tpu.memory_space<vmem>>
    %dma_start3A_38 = arith.constant 0 : i32
    %dma_start3A_39 = tpu.memref_slice %arg4[%add3A_34, %dma_start3A_38] : memref<2048x128xf32, #tpu.memory_space<hbm>> -> memref<32x128xf32, #tpu.memory_space<hbm>>
    %dma_start3A_40 = arith.constant 0 : i32
    %dma_start3A_41 = tpu.memref_slice %arg4[%add3A_34, %dma_start3A_40] : memref<2048x128xf32, #tpu.memory_space<hbm>> -> memref<32x128xf32, #tpu.memory_space<hbm>>
    %dma_start3A_42 = arith.constant 0 : i32
    %dma_start3A_43 = arith.constant 0 : i32
    %dma_start3A_44 = tpu.memref_slice %arg6[%dma_start3A_42, %dma_start3A_43] : memref<64x128xf32, #tpu.memory_space<vmem>> -> memref<32x128xf32, #tpu.memory_space<vmem>>
    tpu.enqueue_dma source(%dma_start3A_44 : memref<32x128xf32, #tpu.memory_space<vmem>>) target(%dma_start3A_41 : memref<32x128xf32, #tpu.memory_space<hbm>>) target_semaphore(%arg8 : memref<!tpu.dma_semaphore, #tpu.memory_space<semaphore_mem>>)
    %dma_wait3A_45 = arith.constant 1 : i32
    %dma_wait3A_46 = arith.constant 32 : i32
    %dma_wait3A_47 = arith.constant 0 : i32
    %dma_wait3A_48 = tpu.memref_slice %arg6[%dma_wait3A_46, %dma_wait3A_47] : memref<64x128xf32, #tpu.memory_space<vmem>> -> memref<32x128xf32, #tpu.memory_space<vmem>>
    %dma_wait3A_49 = arith.constant 0 : i32
    %dma_wait3A_50 = tpu.memref_slice %arg5[%dma_wait3A_45, %dma_wait3A_49] : memref<2x32xi32, #tpu.memory_space<vmem>> -> memref<1x32xi32, #tpu.memory_space<vmem>>
    %dma_wait3A_51 = tpu.memref_squeeze %dma_wait3A_50 : memref<1x32xi32, #tpu.memory_space<vmem>> -> memref<32xi32, #tpu.memory_space<vmem>>
    %dma_wait3A_52 = arith.constant 0 : i32
    %dma_wait3A_53 = arith.constant 0 : i32
    %dma_wait3A_54 = tpu.memref_slice %arg3[%dma_wait3A_52, %dma_wait3A_53] : memref<1000x128xf32, #tpu.memory_space<hbm>> -> memref<1000x128xf32, #tpu.memory_space<hbm>>
    tpu.wait_indirect_dma semaphore(%arg7 : memref<!tpu.dma_semaphore, #tpu.memory_space<semaphore_mem>>) src(%dma_wait3A_54 : memref<1000x128xf32, #tpu.memory_space<hbm>>) dst(%dma_wait3A_48 : memref<32x128xf32, #tpu.memory_space<vmem>>)
    %add3A_55 = arith.constant 32 : i32
    %add3A_56 = arith.addi %mul3A_2, %add3A_55 : i32
    %dma_start3A_57 = arith.constant 32 : i32
    %dma_start3A_58 = arith.constant 0 : i32
    %dma_start3A_59 = tpu.memref_slice %arg6[%dma_start3A_57, %dma_start3A_58] : memref<64x128xf32, #tpu.memory_space<vmem>> -> memref<32x128xf32, #tpu.memory_space<vmem>>
    %dma_start3A_60 = arith.constant 0 : i32
    %dma_start3A_61 = tpu.memref_slice %arg4[%add3A_56, %dma_start3A_60] : memref<2048x128xf32, #tpu.memory_space<hbm>> -> memref<32x128xf32, #tpu.memory_space<hbm>>
    %dma_start3A_62 = arith.constant 0 : i32
    %dma_start3A_63 = tpu.memref_slice %arg4[%add3A_56, %dma_start3A_62] : memref<2048x128xf32, #tpu.memory_space<hbm>> -> memref<32x128xf32, #tpu.memory_space<hbm>>
    %dma_start3A_64 = arith.constant 32 : i32
    %dma_start3A_65 = arith.constant 0 : i32
    %dma_start3A_66 = tpu.memref_slice %arg6[%dma_start3A_64, %dma_start3A_65] : memref<64x128xf32, #tpu.memory_space<vmem>> -> memref<32x128xf32, #tpu.memory_space<vmem>>
    tpu.enqueue_dma source(%dma_start3A_66 : memref<32x128xf32, #tpu.memory_space<vmem>>) target(%dma_start3A_63 : memref<32x128xf32, #tpu.memory_space<hbm>>) target_semaphore(%arg8 : memref<!tpu.dma_semaphore, #tpu.memory_space<semaphore_mem>>)
    %add3A_67 = arith.constant 0 : i32
    %add3A_68 = arith.addi %mul3A_2, %add3A_67 : i32
    %dma_wait3A_69 = arith.constant 0 : i32
    %dma_wait3A_70 = arith.constant 0 : i32
    %dma_wait3A_71 = tpu.memref_slice %arg6[%dma_wait3A_69, %dma_wait3A_70] : memref<64x128xf32, #tpu.memory_space<vmem>> -> memref<32x128xf32, #tpu.memory_space<vmem>>
    %dma_wait3A_72 = arith.constant 0 : i32
    %dma_wait3A_73 = tpu.memref_slice %arg4[%add3A_68, %dma_wait3A_72] : memref<2048x128xf32, #tpu.memory_space<hbm>> -> memref<32x128xf32, #tpu.memory_space<hbm>>
    %dma_wait3A_74 = arith.constant 0 : i32
    %dma_wait3A_75 = tpu.memref_slice %arg4[%add3A_68, %dma_wait3A_74] : memref<2048x128xf32, #tpu.memory_space<hbm>> -> memref<32x128xf32, #tpu.memory_space<hbm>>
    %dma_wait3A_76 = arith.constant 0 : i32
    %dma_wait3A_77 = arith.constant 0 : i32
    %dma_wait3A_78 = tpu.memref_slice %arg6[%dma_wait3A_76, %dma_wait3A_77] : memref<64x128xf32, #tpu.memory_space<vmem>> -> memref<32x128xf32, #tpu.memory_space<vmem>>
    tpu.wait_dma2 semaphore(%arg8 : memref<!tpu.dma_semaphore, #tpu.memory_space<semaphore_mem>>) src(%dma_wait3A_78 : memref<32x128xf32, #tpu.memory_space<vmem>>) dst(%dma_wait3A_75 : memref<32x128xf32, #tpu.memory_space<hbm>>)
    %add3A_79 = arith.constant 32 : i32
    %add3A_80 = arith.addi %mul3A_2, %add3A_79 : i32
    %dma_wait3A_81 = arith.constant 32 : i32
    %dma_wait3A_82 = arith.constant 0 : i32
    %dma_wait3A_83 = tpu.memref_slice %arg6[%dma_wait3A_81, %dma_wait3A_82] : memref<64x128xf32, #tpu.memory_space<vmem>> -> memref<32x128xf32, #tpu.memory_space<vmem>>
    %dma_wait3A_84 = arith.constant 0 : i32
    %dma_wait3A_85 = tpu.memref_slice %arg4[%add3A_80, %dma_wait3A_84] : memref<2048x128xf32, #tpu.memory_space<hbm>> -> memref<32x128xf32, #tpu.memory_space<hbm>>
    %dma_wait3A_86 = arith.constant 0 : i32
    %dma_wait3A_87 = tpu.memref_slice %arg4[%add3A_80, %dma_wait3A_86] : memref<2048x128xf32, #tpu.memory_space<hbm>> -> memref<32x128xf32, #tpu.memory_space<hbm>>
    %dma_wait3A_88 = arith.constant 32 : i32
    %dma_wait3A_89 = arith.constant 0 : i32
    %dma_wait3A_90 = tpu.memref_slice %arg6[%dma_wait3A_88, %dma_wait3A_89] : memref<64x128xf32, #tpu.memory_space<vmem>> -> memref<32x128xf32, #tpu.memory_space<vmem>>
    tpu.wait_dma2 semaphore(%arg8 : memref<!tpu.dma_semaphore, #tpu.memory_space<semaphore_mem>>) src(%dma_wait3A_90 : memref<32x128xf32, #tpu.memory_space<vmem>>) dst(%dma_wait3A_87 : memref<32x128xf32, #tpu.memory_space<hbm>>)
    return
  }
}

module attributes {stable_mosaic.version = 14 : i64} {
  func.func @_tc_a_body(%arg0: memref<64x32x128xf32, #tpu.memory_space<vmem>>, %arg1: memref<1x1x100xi32, #tpu.memory_space<vmem>>, %arg2: memref<1000xf32, #tpu.memory_space<vmem>>, %arg3: memref<1000x128xf32, #tpu.memory_space<vmem>>, %arg4: memref<64x32xi32, #tpu.memory_space<vmem>>, %arg5: memref<1xf32, #tpu.memory_space<smem>>, %arg6: memref<64x32xf32, #tpu.memory_space<vmem>>) attributes {dimension_semantics = [], scalar_prefetch = 0 : i64, scratch_operands = 0 : i64, tpu.core_type = #tpu.core_type<tc>} {
    %get3A = arith.constant 0 : index
    %get3A_0 = arith.constant 0 : index
    %get3A_1 = arith.constant 0 : index
    %get3A_2 = vector.load %arg0[%get3A, %get3A_0, %get3A_1] : memref<64x32x128xf32, #tpu.memory_space<vmem>>, vector<64x32x128xf32>
    %reshape3A = vector.shape_cast %get3A_2 : vector<64x32x128xf32> to vector<2048x128xf32>
    %get3A_3 = arith.constant 0 : index
    %get3A_4 = vector.load %arg2[%get3A_3] : memref<1000xf32, #tpu.memory_space<vmem>>, vector<1000xf32>
    %get3A_5 = arith.constant 0 : index
    %get3A_6 = arith.constant 0 : index
    %get3A_7 = arith.constant 0 : index
    %get3A_8 = vector.load %arg1[%get3A_5, %get3A_6, %get3A_7] : memref<1x1x100xi32, #tpu.memory_space<vmem>>, vector<1x1x100xi32>
    %reshape3A_9 = vector.shape_cast %get3A_8 : vector<1x1x100xi32> to vector<1x100xi32>
    %iota3A = tpu.iota {dimensions = array<i32: 0>} : vector<1000x100xi32>
    %eq3A = vector.broadcast %reshape3A_9 : vector<1x100xi32> to vector<1000x100xi32>
    %eq3A_10 = arith.cmpi eq, %iota3A, %eq3A : vector<1000x100xi32>
    %jit3A = arith.constant 1.000000e+00 : f32
    %jit3A_11 = arith.constant 0.000000e+00 : f32
    %broadcast_in_dim3A = vector.broadcast %jit3A : f32 to vector<1000x100xf32>
    %broadcast_in_dim3A_12 = vector.broadcast %jit3A_11 : f32 to vector<1000x100xf32>
    %select_n3A = arith.select %eq3A_10, %broadcast_in_dim3A, %broadcast_in_dim3A_12 : vector<1000x100xi1>, vector<1000x100xf32>
    %get3A_13 = arith.constant 0 : index
    %get3A_14 = arith.constant 0 : index
    %get3A_15 = vector.load %arg3[%get3A_13, %get3A_14] : memref<1000x128xf32, #tpu.memory_space<vmem>>, vector<1000x128xf32>
    %dot_general3A = arith.constant dense<0.000000e+00> : vector<100x128xf32>
    %dot_general3A_16 = tpu.matmul %select_n3A, %get3A_15, %dot_general3A {dimension_numbers = #tpu.dot_dimension_numbers<[0], [0], [1], [1], [0, 1, 1, 1], [], []>, transpose_lhs_hint = false} : vector<1000x100xf32>, vector<1000x128xf32>, vector<100x128xf32> -> vector<100x128xf32>
    %reshape3A_17 = vector.shape_cast %get3A_4 : vector<1000xf32> to vector<1x1000xf32>
    %dot_general3A_18 = arith.constant dense<0.000000e+00> : vector<1x100xf32>
    %dot_general3A_19 = tpu.matmul %reshape3A_17, %select_n3A, %dot_general3A_18 {dimension_numbers = #tpu.dot_dimension_numbers<[1], [0], [0], [1], [0, 0, 1, 1], [], []>, transpose_lhs_hint = false} : vector<1x1000xf32>, vector<1000x100xf32>, vector<1x100xf32> -> vector<1x100xf32>
    %dot_general3A_20 = arith.constant dense<0.000000e+00> : vector<2048x100xf32>
    %dot_general3A_21 = tpu.matmul %reshape3A, %dot_general3A_16, %dot_general3A_20 {dimension_numbers = #tpu.dot_dimension_numbers<[1], [1], [0], [0], [0, 0, 1, 0], [], []>, transpose_lhs_hint = false} : vector<2048x128xf32>, vector<100x128xf32>, vector<2048x100xf32> -> vector<2048x100xf32>
    %add3A = vector.broadcast %dot_general3A_19 : vector<1x100xf32> to vector<2048x100xf32>
    %add3A_22 = arith.addf %dot_general3A_21, %add3A : vector<2048x100xf32>
    %sub3A = arith.constant 4.60517025 : f32
    %sub3A_23 = vector.broadcast %sub3A : f32 to vector<2048x100xf32>
    %sub3A_24 = arith.subf %add3A_22, %sub3A_23 : vector<2048x100xf32>
    %max3A = arith.constant 0.000000e+00 : f32
    %max3A_25 = vector.broadcast %max3A : f32 to vector<2048x100xf32>
    %max3A_26 = arith.maximumf %sub3A_24, %max3A_25 : vector<2048x100xf32>
    %abs3A = math.absf %sub3A_24 : vector<2048x100xf32>
    %neg3A = arith.constant 0.000000e+00 : f32
    %neg3A_27 = vector.broadcast %neg3A : f32 to vector<2048x100xf32>
    %neg3A_28 = arith.subf %neg3A_27, %abs3A : vector<2048x100xf32>
    %exp3A = math.exp %neg3A_28 : vector<2048x100xf32>
    %log1p3A = math.log1p %exp3A : vector<2048x100xf32>
    %add3A_29 = arith.addf %max3A_26, %log1p3A : vector<2048x100xf32>
    %reduce_sum3A = vector.shape_cast %add3A_29 : vector<2048x100xf32> to vector<1x2048x100xf32>
    %reduce_sum3A_30 = arith.constant dense<0.000000e+00> : vector<1xf32>
    %reduce_sum3A_31 = vector.multi_reduction <add>, %reduce_sum3A, %reduce_sum3A_30 [1, 2] : vector<1x2048x100xf32> to vector<1xf32>
    %reduce_sum3A_32 = vector.shape_cast %reduce_sum3A_31 : vector<1xf32> to vector<1x1x1xf32>
    %reduce_sum3A_33 = vector.extract %reduce_sum3A_32[0, 0, 0] : f32 from vector<1x1x1xf32>
    %swap3A = arith.constant 0 : index
    %swap3A_34 = memref.load %arg5[%swap3A] : memref<1xf32, #tpu.memory_space<smem>>
    memref.store %reduce_sum3A_33, %arg5[%swap3A] : memref<1xf32, #tpu.memory_space<smem>>
    %get3A_35 = arith.constant 0 : index
    %get3A_36 = arith.constant 0 : index
    %get3A_37 = vector.load %arg4[%get3A_35, %get3A_36] : memref<64x32xi32, #tpu.memory_space<vmem>>, vector<64x32xi32>
    %iota3A_38 = tpu.iota {dimensions = array<i32: 2>} : vector<64x32x1000xi32>
    %broadcast_in_dim3A_39 = vector.shape_cast %get3A_37 : vector<64x32xi32> to vector<64x32x1xi32>
    %eq3A_40 = vector.broadcast %broadcast_in_dim3A_39 : vector<64x32x1xi32> to vector<64x32x1000xi32>
    %eq3A_41 = arith.cmpi eq, %iota3A_38, %eq3A_40 : vector<64x32x1000xi32>
    %jit3A_42 = arith.constant 0.000000e+00 : f32
    %broadcast_in_dim3A_43 = vector.shape_cast %get3A_4 : vector<1000xf32> to vector<1x1x1000xf32>
    %broadcast_in_dim3A_44 = vector.broadcast %broadcast_in_dim3A_43 : vector<1x1x1000xf32> to vector<64x32x1000xf32>
    %broadcast_in_dim3A_45 = vector.broadcast %jit3A_42 : f32 to vector<64x32x1000xf32>
    %select_n3A_46 = arith.select %eq3A_41, %broadcast_in_dim3A_44, %broadcast_in_dim3A_45 : vector<64x32x1000xi1>, vector<64x32x1000xf32>
    %reduce_sum3A_47 = arith.constant dense<0.000000e+00> : vector<64x32xf32>
    %reduce_sum3A_48 = vector.multi_reduction <add>, %select_n3A_46, %reduce_sum3A_47 [2] : vector<64x32x1000xf32> to vector<64x32xf32>
    %swap3A_49 = arith.constant 0 : index
    %swap3A_50 = arith.constant 0 : index
    %swap3A_51 = vector.load %arg6[%swap3A_49, %swap3A_50] : memref<64x32xf32, #tpu.memory_space<vmem>>, vector<64x32xf32>
    tpu.vector_store %arg6[%swap3A_49, %swap3A_50], %reduce_sum3A_48 {strides = array<i32>} : memref<64x32xf32, #tpu.memory_space<vmem>>, vector<64x32xf32>,
    return
  }
}

module attributes {stable_mosaic.version = 14 : i64} {
  func.func @_tc_b_body(%arg0: memref<64x32x128xf32, #tpu.memory_space<vmem>>, %arg1: memref<2048x128xf32, #tpu.memory_space<vmem>>, %arg2: memref<64x32xf32, #tpu.memory_space<vmem>>, %arg3: memref<1xf32, #tpu.memory_space<smem>>, %arg4: memref<1xf32, #tpu.memory_space<smem>>) attributes {dimension_semantics = [], scalar_prefetch = 0 : i64, scratch_operands = 0 : i64, tpu.core_type = #tpu.core_type<tc>} {
    %get3A = arith.constant 0 : index
    %get3A_0 = arith.constant 0 : index
    %get3A_1 = arith.constant 0 : index
    %get3A_2 = vector.load %arg0[%get3A, %get3A_0, %get3A_1] : memref<64x32x128xf32, #tpu.memory_space<vmem>>, vector<64x32x128xf32>
    %get3A_3 = arith.constant 0 : index
    %get3A_4 = arith.constant 0 : index
    %get3A_5 = vector.load %arg1[%get3A_3, %get3A_4] : memref<2048x128xf32, #tpu.memory_space<vmem>>, vector<2048x128xf32>
    %reshape3A = vector.shape_cast %get3A_5 : vector<2048x128xf32> to vector<64x32x128xf32>
    %mul3A = arith.mulf %get3A_2, %reshape3A : vector<64x32x128xf32>
    %reduce_sum3A = arith.constant dense<0.000000e+00> : vector<64x32xf32>
    %reduce_sum3A_6 = vector.multi_reduction <add>, %mul3A, %reduce_sum3A [2] : vector<64x32x128xf32> to vector<64x32xf32>
    %get3A_7 = arith.constant 0 : index
    %get3A_8 = arith.constant 0 : index
    %get3A_9 = vector.load %arg2[%get3A_7, %get3A_8] : memref<64x32xf32, #tpu.memory_space<vmem>>, vector<64x32xf32>
    %add3A = arith.addf %reduce_sum3A_6, %get3A_9 : vector<64x32xf32>
    %sub3A = arith.constant 4.60517025 : f32
    %sub3A_10 = vector.broadcast %sub3A : f32 to vector<64x32xf32>
    %sub3A_11 = arith.subf %add3A, %sub3A_10 : vector<64x32xf32>
    %neg3A = arith.constant 0.000000e+00 : f32
    %neg3A_12 = vector.broadcast %neg3A : f32 to vector<64x32xf32>
    %neg3A_13 = arith.subf %neg3A_12, %sub3A_11 : vector<64x32xf32>
    %max3A = arith.constant 0.000000e+00 : f32
    %max3A_14 = vector.broadcast %max3A : f32 to vector<64x32xf32>
    %max3A_15 = arith.maximumf %neg3A_13, %max3A_14 : vector<64x32xf32>
    %abs3A = math.absf %sub3A_11 : vector<64x32xf32>
    %neg3A_16 = arith.constant 0.000000e+00 : f32
    %neg3A_17 = vector.broadcast %neg3A_16 : f32 to vector<64x32xf32>
    %neg3A_18 = arith.subf %neg3A_17, %abs3A : vector<64x32xf32>
    %exp3A = math.exp %neg3A_18 : vector<64x32xf32>
    %log1p3A = math.log1p %exp3A : vector<64x32xf32>
    %add3A_19 = arith.addf %max3A_15, %log1p3A : vector<64x32xf32>
    %reduce_sum3A_20 = vector.shape_cast %add3A_19 : vector<64x32xf32> to vector<1x64x32xf32>
    %reduce_sum3A_21 = arith.constant dense<0.000000e+00> : vector<1xf32>
    %reduce_sum3A_22 = vector.multi_reduction <add>, %reduce_sum3A_20, %reduce_sum3A_21 [1, 2] : vector<1x64x32xf32> to vector<1xf32>
    %reduce_sum3A_23 = vector.shape_cast %reduce_sum3A_22 : vector<1xf32> to vector<1x1x1xf32>
    %reduce_sum3A_24 = vector.extract %reduce_sum3A_23[0, 0, 0] : f32 from vector<1x1x1xf32>
    %get3A_25 = arith.constant 0 : index
    %get3A_26 = memref.load %arg3[%get3A_25] : memref<1xf32, #tpu.memory_space<smem>>
    %add3A_27 = arith.addf %reduce_sum3A_24, %get3A_26 : f32
    %mul3A_28 = arith.constant 4.8828125E-4 : f32
    %mul3A_29 = arith.mulf %add3A_27, %mul3A_28 : f32
    %swap3A = arith.constant 0 : index
    %swap3A_30 = memref.load %arg4[%swap3A] : memref<1xf32, #tpu.memory_space<smem>>
    memref.store %mul3A_29, %arg4[%swap3A] : memref<1xf32, #tpu.memory_space<smem>>
    return
  }
}

</mosaic_0001>

<sc_bundles>
// kernel: kernel.5.cloned.1.call-start
scs
__scs_entry_jumppad:
0x0: {  	(pc) =	sbr.rel $0x88, $3  }
0x1: {  	(tag) =	ssettag $0x0;
	lr =	simm.s32 $0x1  }
0x2: {  	[smem:$0x3F9C] =	sst lr;
	_ =	strace $0xD0000000  }
0x3: {  	_ = 	snop  }
0x4: {  	_ = 	snop  }
0x5: {  	_ = 	snop  }
0x6: {  	_ = 	snop  }
0x7: {  	_ = 	snop  }
__scs_overlays_trampoline_lowered:
0x8: {  	[smem:$0x3FAB] =	sst s0  }
0x9: {  	[smem:$0x3FAC] =	sst s1  }
0xa: {  	[smem:$0x3FAD] =	sst s2  }
0xb: {  	[smem:$0x3FAE] =	sst s3  }
0xc: {  	[smem:$0x3FAF] =	sst s4  }
0xd: {  	[smem:$0x3FB0] =	sst s5  }
0xe: {  	[smem:$0x3FB1] =	sst s6  }
0xf: {  	[smem:$0x3FB2] =	sst s7  }
0x10: {  	[smem:$0x3FB3] =	sst s8  }
0x11: {  	[smem:$0x3FB4] =	sst s9;
	s0 =	simm.s32 @!p0 $0x0  }
0x12: {  	s1 =	sld [smem:$0x3F9A];
	s0 =	simm.s32 @p0 $0x1  }
0x13: {  	[smem:$0x3FB5] =	sst s0;
	s0 =	simm.s32 @!p1 $0x0  }
0x14: {  	s2 =	sld [smem:$0x3F99];
	s0 =	simm.s32 @p1 $0x1  }
0x15: {  	[smem:$0x3FB6] =	sst s0;
	s0 =	simm.s32 @!p2 $0x0  }
0x16: {  	s3 =	sld [smem:$0x3FDB];
	s0 =	simm.s32 @p2 $0x1  }
0x17: {  	s4 =	simm.s32 $0x1BF5;
	[smem:$0x3FB8] =	sst s0  }
0x18: {  	s0 =	sld [smem:$0x3F9B];
	_ =	swait.ge [sflag:s4], $0x0  }
0x19: {  	s7 =	sld [smem:$0x3F9C]  }
0x1a: {  	s8 =	sadd.s32 $0xFFFFE003, lr  }
0x1b: {  	s9 =	sadd.s32 $0xFFFFFEF7, lr;
	s5 =	simm.s32 $0xFFFFFFFF;
	p2 =	slt.u32 s8, $0xFFFFF086  }
0x1c: {  	p1 =	slt.u32 s9, $0xF7A;
	s5 =	simm.s32 @!p2 $0x0  }
0x1d: {  	s5 =	simm.s32 @p1 $0x1;
	p0 =	seq.s32 s7, s2  }
0x1e: {  	s7 =	smul.u32 @!p0 $0xF7A, s2;
	p2 =	seq.s32 @!p0 s5, $0x0  }
0x1f: {  	s9 =	smul.u32 $0xF7A, s1;
	s8 =	simm.s32 @!p0 $0x1BF5;
	p2 =	por !p2, p0  }
0x20: {  	[sflag:s8] =	ssyncset.s32 @!p0 $0xFFFFF086;
	s6 =	sadd.s32 @!p0 s3, s7;
	s7 =	simm.s32 @!p0 $0x108  }
0x21: {  	s3 =	sadd.s32 s3, s9;
	s6 =	sadd.s32 @!p0 $0x88, s6;
	s7 =	simm.s32 @p2 $0x1082  }
0x22: {  	[simem:s7], [sflag:s8] =	dma.local @!p0 [hbm:s6], $0xF7A  }
0x23: {  	s9 =	sor.u32 $0xD0000000, s2;
	s6 =	simm.s32 $0x108;
	_ =	swait.ge @!p0 [sflag:s8], $0x0  }
0x24: {  	s3 =	sadd.s32 $0x88, s3;
	s6 =	simm.s32 @!p1 $0x1082;
	[sflag:s4] =	ssyncset.s32 $0xFFFFF086  }
0x25: {  	[simem:s6], [sflag:s4] =	dma.local [hbm:s3], $0xF7A  }
0x26: {  	[smem:$0x3F9C] =	sst s1;
	(tag) =	ssettag s2;
	_ =	strace s9  }
0x27: {  	s1 =	sld [smem:$0x3FAC]  }
0x28: {  	s2 =	sld [smem:$0x3FAD]  }
0x29: {  	s4 =	sld [smem:$0x3FAF]  }
0x2a: {  	p0 =	seq.s32 s5, $0x0;
	s5 =	sld [smem:$0x3FB0]  }
0x2b: {  	s6 =	sld [smem:$0x3FB1]  }
0x2c: {  	s7 =	sld [smem:$0x3FB2]  }
0x2d: {  	s3 =	simm.s32 $0x108;
	s8 =	sld [smem:$0x3FB3]  }
0x2e: {  	s3 =	simm.s32 @!p0 $0x1082;
	s9 =	sld [smem:$0x3FB4]  }
0x2f: {  	lr =	sadd.s32 s0, s3;
	s0 =	sld [smem:$0x3FAB]  }
0x30: {  	s3 =	sld [smem:$0x3FAE]  }
0x31: {  	[smem:$0x3FB7] =	sst s10  }
0x32: {  	s10 =	sld [smem:$0x3FB5];
	_ =	sdelay $0x3  }
0x33: {  	p0 =	seq.s32 s10, $0x1;
	s10 =	sld [smem:$0x3FB7];
	_ =	sdelay $0x3  }
0x34: {  	[smem:$0x3FB7] =	sst s10  }
0x35: {  	s10 =	sld [smem:$0x3FB6];
	_ =	sdelay $0x3  }
0x36: {  	p1 =	seq.s32 s10, $0x1;
	s10 =	sld [smem:$0x3FB7];
	_ =	sdelay $0x3  }
0x37: {  	[smem:$0x3FB7] =	sst s10  }
0x38: {  	s10 =	sld [smem:$0x3FB8]  }
0x39: {  	_ = 	snop;
	(pc) =	sbr.ind lr, $3  }
0x3a: {  	_ = 	snop  }
0x3b: {  	_ = 	snop  }
0x3c: {  	p2 =	seq.s32 s10, $0x1;
	s10 =	sld [smem:$0x3FB7]  }
0x3d: {  	_ =	shalt  }
0x3e: {  	_ =	shalt  }
0x3f: {  	_ =	shalt  }
0x40: {  	_ =	shalt  }
0x41: {  	_ =	shalt  }
0x42: {  	_ =	shalt  }
0x43: {  	_ =	shalt  }
0x44: {  	_ =	shalt  }
0x45: {  	_ =	shalt  }
0x46: {  	_ =	shalt  }
0x47: {  	_ =	shalt  }
0x48: {  	_ =	shalt  }
0x49: {  	_ =	shalt  }
0x4a: {  	_ =	shalt  }
0x4b: {  	_ =	shalt  }
0x4c: {  	_ =	shalt  }
0x4d: {  	_ =	shalt  }
0x4e: {  	_ =	shalt  }
0x4f: {  	_ =	shalt  }
0x50: {  	_ =	shalt  }
0x51: {  	_ =	shalt  }
0x52: {  	_ =	shalt  }
0x53: {  	_ =	shalt  }
0x54: {  	_ =	shalt  }
0x55: {  	_ =	shalt  }
0x56: {  	_ =	shalt  }
0x57: {  	_ =	shalt  }
0x58: {  	_ =	shalt  }
0x59: {  	_ =	shalt  }
0x5a: {  	_ =	shalt  }
0x5b: {  	_ =	shalt  }
0x5c: {  	_ =	shalt  }
0x5d: {  	_ =	shalt  }
0x5e: {  	_ =	shalt  }
0x5f: {  	_ =	shalt  }
0x60: {  	_ =	shalt  }
0x61: {  	_ =	shalt  }
0x62: {  	_ =	shalt  }
0x63: {  	_ =	shalt  }
0x64: {  	_ =	shalt  }
0x65: {  	_ =	shalt  }
0x66: {  	_ =	shalt  }
0x67: {  	_ =	shalt  }
0x68: {  	_ =	shalt  }
0x69: {  	_ =	shalt  }
0x6a: {  	_ =	shalt  }
0x6b: {  	_ =	shalt  }
0x6c: {  	_ =	shalt  }
0x6d: {  	_ =	shalt  }
0x6e: {  	_ =	shalt  }
0x6f: {  	_ =	shalt  }
0x70: {  	_ =	shalt  }
0x71: {  	_ =	shalt  }
0x72: {  	_ =	shalt  }
0x73: {  	_ =	shalt  }
0x74: {  	_ =	shalt  }
0x75: {  	_ =	shalt  }
0x76: {  	_ =	shalt  }
0x77: {  	_ =	shalt  }
0x78: {  	_ =	shalt  }
0x79: {  	_ =	shalt  }
0x7a: {  	_ =	shalt  }
0x7b: {  	_ =	shalt  }
0x7c: {  	_ =	shalt  }
0x7d: {  	_ =	shalt  }
0x7e: {  	_ =	shalt  }
0x7f: {  	_ =	shalt  }
0x80: {  	_ =	shalt  }
0x81: {  	_ =	shalt  }
0x82: {  	_ =	shalt  }
0x83: {  	_ =	shalt  }
0x84: {  	_ =	shalt  }
0x85: {  	_ =	shalt  }
0x86: {  	_ =	shalt  }
0x87: {  	_ =	shalt  }
.Lfunc_end0:
.L_simem_size_0:
called_computation_lowered:
.L_overlay_start_0:
0x88: {  	s2 =	sld [smem:$0x3FD9]  }
0x89: {  	s3 =	sld [smem:$0x3FFE];
	_ =	sdelay $0x1  }
0x8a: {  	s1 =	srdreg.scid  }
0x8b: {  	s0 =	sand.u32 $0x1, s1  }
0x8c: {  	s17 =	sshll.u32 s0, $0xA;
	s2 =	sadd.s32 s3, s2  }
0x8d: {  	s2 =	sadd.s32 s2, s17  }
0x8e: {  	[smem:$0x3FC3] =	sst s2  }
0x8f: {  	_ = 	snop  }
0x90: {  	s2 =	sld [smem:$0x3FC7];
	(tm) =	ssettm $0x1  }
0x91: {  	s18 =	sld [smem:$0x3FFB];
	_ =	sdelay $0x3  }
0x92: {  	_ =	strace s18  }
0x93: {  	s3 =	sld [smem:$0x3FFC];
	_ =	sdelay $0x3  }
0x94: {  	_ =	strace s3  }
0x95: {  	s3 =	sld [smem:$0x3FFD];
	_ =	sdelay $0x3  }
0x96: {  	_ =	strace s3  }
0x97: {  	_ =	strace $0x8FFFFFFF  }
0x98: {  	s19 =	sld [smem:$0x3FDB];
	_ =	sdelay $0x1  }
0x99: {  	s4 =	simm.s32 $_scs_section_size  }
0x9a: {  	s5 =	simm.s32 $_size__tile_overlayer_lowered;
	s6 =	simm.s32 $_tile_overlayer_lowered  }
0x9b: {  	s22 =	simm.s32 $0x1BFF;
	s21 =	sshll.u32 s6, $0x1;
	s3 =	sadd.s32 s4, s19  }
0x9c: {  	s7 =	simm.s32 $0x0;
	s20 =	sshll.u32 s5, $0x1;
	s5 =	sadd.s32 s21, s3  }
0x9d: {  	[timem:s7], [sflag:s22] =	dma.local [hbm:s5], s20  }
0x9e: {  	_ =	swait.ge [sflag:s22], s20  }
0x9f: {  	s4 =	ssub.s32 $0x0, s20;
	[sflag:s22] =	ssyncset.done $0x0  }
0xa0: {  	[sflag:s22] =	ssyncadd.s32 s4;
	_ =	sdelay $0x1  }
0xa1: {  	s23 =	simm.s32 $0x1B8B  }
0xa2: {  	_ =	swait.ge [sflag:s23], $0x1  }
0xa3: {  	[sflag:s23] =	ssyncset.done $0x0  }
0xa4: {  	s25 =	simm.s32 $0x1B8E;
	s24 =	sld [smem:$0x3FFE];
	[sflag:s23] =	ssyncadd.s32 $0xFFFFFFFF  }
0xa5: {  	s26 =	simm.s32 $execute0_lowered;
	[smem:$0x3FD2] =	sst s25  }
0xa6: {  	s5 =	sshll.u32 s26, $0x1;
	_ =	strace $0x80000046;
	[dreg:$0x1] =	wrdreg $0xFFFFFFFF  }
0xa7: {  	s28 =	simm.s32 $_size_execute0_lowered;
	s3 =	sadd.s32 s3, s5;
	[dreg:$0x0] =	wrdreg $0x0  }
0xa8: {  	s5 =	sshll.u32 s28, $0x1;
	[dreg:$0x2] =	wrdreg s3  }
0xa9: {  	[dreg:$0x3] =	wrdreg s5  }
0xaa: {  	[dreg:$0x4] =	wrdreg $0xC0  }
0xab: {  	_ =	task [dreg:s7], $0x5FFFF  }
0xac: {  	[dreg:$0x1] =	wrdreg $0xFFFFFFFF  }
0xad: {  	[dreg:$0x0] =	wrdreg $0x60  }
0xae: {  	[dreg:$0x2] =	wrdreg s24  }
0xaf: {  	[dreg:$0x3] =	wrdreg s2  }
0xb0: {  	[dreg:$0x4] =	wrdreg $0x9  }
0xb1: {  	_ =	task.clear_ibuf [dreg:s7], $0x5FFFF;
	_ =	strace $0x90000046  }
0xb2: {  	s29 =	simm.s32 $0x9;
	_ =	strace $0x80000048  }
0xb3: {  	_ =	swait.ge [sflag:s29], $0x1  }
0xb4: {  	[sflag:s29] =	ssyncadd.s32 $0xFFFFFFFF  }
0xb5: {  	_ =	strace $0x90000048  }
0xb6: {  	_ =	sfence  }
0xb7: {  	s30 =	sld [smem:$0x0];
	_ =	sdelay $0x2  }
0xb8: {  	s31 =	sshll.u32 s1, $0xD;
	s1 =	sshrl.u32 s1, $0x2  }
0xb9: {  	s3 =	sand.u32 $0x4000, s31;
	s1 =	sadd.s32 s1, s30  }
0xba: {  	s0 =	sor.u32 s3, s0;
	s1 =	sshll.u32 s1, $0x11  }
0xbb: {  	s0 =	sor.u32 s1, s0  }
0xbc: {  	s0 =	sadd.s32 $0x8F2B, s0  }
0xbd: {  	[sflag:s0] =	ssyncadd.remote.s32 $0x1  }
0xbe: {  	_ =	sfence.sel $0xFFFF  }
0xbf: {  	[dreg:$0x0] =	wrdreg $0xFFFFFFFF;
	(pc) =	sbr.abs _section_cstart, $3  }
0xc0: {  	[dreg:$0x1] =	wrdreg $0xFFFFFFFF  }
0xc1: {  	_ =	task.clear_ibuf [dreg:s7], $0x2FFFF;
	_ =	strace $0x9FFFFFFF  }
0xc2: {  	(tm) =	ssettm $0x7FFFFFFF  }
0xc3: {  	_ =	shalt  }
tec
execute0_lowered:
.L_overlay_start_1:
0x0: {  	(tag) =	ssettag $0x1  }
0x1: {  	s1 =	srdreg.scid;
	s0 =	stileid.u32  }
0x2: {  	s12 =	sand.u32 $0x1, s1;
	s31 =	sshll.u32 s0, $0x1  }
0x3: {  	s11 =	rddreg [dreg:$0x0];
	s13 =	sor.u32 s12, s31  }
0x4: {  	s2 =	rddreg [dreg:$0x1];
	s3 =	simm.s32 $0x0;
	s4 =	sshll.u32 s13, $0x5  }
0x5: {  	s5 =	simm.s32 $0x3;
	[smem:$0x7FF] =	sst s3;
	s4 =	sadd.s32 s4, s11  }
0x6: {  	s1 =	rddreg [dreg:$0x2];
	_ =	strace $0x80000047;
	s4 =	sadd.s32 $0x1200, s4  }
0x7: {  	[tilespmem:s3], [sflag:$0x3] =	stream.linear.gather [hbm4b:s4+s3], $0x100, $0x38;
	[tilespmem:$0x2100] =	vst v63  }
0x8: {  	_ =	swait.ge [sflag:s5], $0x100  }
0x9: {  	[sflag:s5] =	ssyncset.done $0x0  }
0xa: {  	s6 =	simm.s32 $0x20;
	s7 =	simm.s32 $0x100;
	[sflag:s5] =	ssyncadd.s32 $0xFFFFFF00  }
0xb: {  	[tilespmem:s7], [sflag:$0x1] =	stream.indirect.gather [hbm4b:s2+s6], $0x80, s3, s6, $0xb8;
	[tilespmem:$0x2100] =	vst v63  }
0xc: {  	s8 =	simm.s32 $0x80;
	s9 =	simm.s32 $0x1100;
	s10 =	simm.s32 $0x1  }
0xd: {  	[tilespmem:s9], [sflag:$0x1] =	stream.indirect.gather [hbm4b:s2+s6], $0x80, s8, s6, $0xb8;
	[tilespmem:$0x2100] =	vst v63  }
0xe: {  	s13 =	sshll.u32 s13, $0xA;
	_ =	swait.ge [sflag:s10], $0x1000  }
0xf: {  	s14 =	ssub.s32 $0x2, s12;
	s13 =	sadd.s32 s13, s11;
	[sflag:s10] =	ssyncset.done $0x0  }
0x10: {  	s15 =	sshrl.u32 s14, $0x1;
	s11 =	sadd.s32 $0x1600, s13;
	[sflag:s10] =	ssyncadd.s32 $0xFFFFF000  }
0x11: {  	[hbm4b:s11+s3] =	stream.linear.scatter [tilespmem:s7], [sflag:$0x2], $0x1000, $0x38;
	[tilespmem:$0x2100] =	vst v63  }
0x12: {  	s14 =	ssub.s32 s14, s15;
	_ =	swait.ge [sflag:s10], $0x1000  }
0x13: {  	s12 =	simm.s32 $0x2;
	s14 =	smax.u32 s14, $0x1;
	[sflag:s10] =	ssyncset.done $0x0  }
0x14: {  	s13 =	sadd.s32 $0x1800, s13;
	p0 =	sne.s32 s14, $0x1;
	[sflag:s10] =	ssyncadd.s32 $0xFFFFF000  }
0x15: {  	[hbm4b:s13+s3] =	stream.linear.scatter [tilespmem:s9], [sflag:$0x2], $0x1000, $0x38;
	[tilespmem:$0x2100] =	vst v63  }
.Ltmp0:
0x16: {  	_ =	swait.ge [sflag:s12], $0x1000;
	(pc) =	sbr.rel @!p0 .LBB2_2-.Ltmp0, $4  }
0x17: {  	[sflag:s12] =	ssyncset.done $0x0  }
0x18: {  	[sflag:s12] =	ssyncadd.s32 $0xFFFFF000  }
0x19: {  	_ =	swait.ge [sflag:s12], $0x1000  }
0x1a: {  	s14 =	sadd.s32 $0xFFFFFFFF, s14;
	[sflag:s12] =	ssyncset.done $0x0  }
.LBB2_1:
0x1b: {  	p0 =	sne.s32 s14, $0x1;
	s14 =	sadd.s32 $0xFFFFFFFF, s14;
	[sflag:s12] =	ssyncadd.s32 $0xFFFFF000  }
0x1c: {  	[tilespmem:s3], [sflag:$0x3] =	stream.linear.gather [hbm4b:s4+s3], $0x100, $0x38;
	[tilespmem:$0x2100] =	vst v63  }
0x1d: {  	_ =	swait.ge [sflag:s5], $0x100  }
0x1e: {  	[sflag:s5] =	ssyncset.done $0x0  }
0x1f: {  	[sflag:s5] =	ssyncadd.s32 $0xFFFFFF00  }
0x20: {  	[tilespmem:s7], [sflag:$0x1] =	stream.indirect.gather [hbm4b:s2+s6], $0x80, s3, s6, $0xb8;
	[tilespmem:$0x2100] =	vst v63  }
0x21: {  	_ = 	snop  }
0x22: {  	[tilespmem:s9], [sflag:$0x1] =	stream.indirect.gather [hbm4b:s2+s6], $0x80, s8, s6, $0xb8;
	[tilespmem:$0x2100] =	vst v63  }
0x23: {  	_ =	swait.ge [sflag:s10], $0x1000  }
0x24: {  	[sflag:s10] =	ssyncset.done $0x0  }
0x25: {  	[sflag:s10] =	ssyncadd.s32 $0xFFFFF000  }
0x26: {  	[hbm4b:s11+s3] =	stream.linear.scatter [tilespmem:s7], [sflag:$0x2], $0x1000, $0x38;
	[tilespmem:$0x2100] =	vst v63  }
0x27: {  	_ =	swait.ge [sflag:s10], $0x1000  }
0x28: {  	[sflag:s10] =	ssyncset.done $0x0  }
0x29: {  	[sflag:s10] =	ssyncadd.s32 $0xFFFFF000  }
0x2a: {  	[hbm4b:s13+s3] =	stream.linear.scatter [tilespmem:s9], [sflag:$0x2], $0x1000, $0x38;
	[tilespmem:$0x2100] =	vst v63  }
.Ltmp1:
0x2b: {  	_ =	swait.ge [sflag:s12], $0x1000;
	(pc) =	sbr.rel @p0 .LBB2_1-.Ltmp1, $4  }
0x2c: {  	[sflag:s12] =	ssyncset.done $0x0  }
0x2d: {  	[sflag:s12] =	ssyncadd.s32 $0xFFFFF000  }
0x2e: {  	_ =	swait.ge [sflag:s12], $0x1000  }
0x2f: {  	[sflag:s12] =	ssyncset.done $0x0  }
.LBB2_2:
0x30: {  	[sflag:s12] =	ssyncadd.s32 $0xFFFFF000  }
0x31: {  	_ =	sfence.sel $0x180000  }
0x32: {  	[bflag:$0x0] =	sbarrier.arrive $0xFFFF  }
0x33: {  	p0 =	sne.s32 s0, $0x0;
	_ =	strace $0x90000047  }
0x34: {  	s0 =	sadd.s32 @!p0 $0x100000, s1;
	[bflag:$0x2] =	sbarrier.arrive $0xFFFF  }
0x35: {  	[sflag:s0] =	ssyncadd.tile.s32 @!p0 $0x1;
	_ =	shalt  }
.Lfunc_end2:
_tile_overlayer_lowered:
.L_overlay_start_2:
0x36: {  	(tag) =	ssettag $0x2  }
0x37: {  	s0 =	rddreg [dreg:$0x0];
	s2 =	stileid.u32  }
0x38: {  	s1 =	rddreg [dreg:$0x1];
	p0 =	sne.s32 s2, $0x0  }
0x39: {  	s3 =	rddreg [dreg:$0x2];
	[bflag:$0x3] =	sbarrier.arrive $0xFFFF;
	s2 =	simm.s32 @!p0 $0x1C03  }
0x3a: {  	[timem:s3], [sflag:s2] =	dma.local @!p0 [hbm:s0], s1  }
0x3b: {  	s0 =	simm.s32 @!p0 $0x3  }
0x3c: {  	_ =	swait.ge @!p0 [sflag:s0], s1  }
0x3d: {  	s1 =	ssub.s32 @!p0 $0x0, s1;
	[sflag:s0] =	ssyncset.done @!p0 $0x0  }
0x3e: {  	[sflag:s0] =	ssyncadd.s32 @!p0 s1  }
0x3f: {  	[bflag:$0x3] =	sbarrier.arrive $0xFFFF  }
0x40: {  	_ =	shalt  }

</sc_bundles>
